<compile_context>
chip_gen: v7x
topology: tpu7x:2x2x1
jax: 0.10.2.dev20260603
libtpu: 0.0.44.dev20260713+nightly
codegen_flags: <defaults>
</compile_context>

<pallas_src>
import functools

import jax
import jax.numpy as jnp
from jax import lax
from jax.experimental import pallas as pl
from jax.experimental.pallas import tpu as pltpu
from jax.experimental.pallas import tpu_sc as plsc

BATCH = 16384
EMB = 32
NC = 2
NS = 16
NW = NC * NS
BW = BATCH // NW
CH = 128
NCH = BW // CH

_MESH = dict(core_axis_name="c", subcore_axis_name="s",
             num_cores=NC, num_subcores=NS)


def _sc_bias_body(uid_hbm, iid_hbm, ubT_hbm, ibT_hbm, ub_out, ib_out,
                  uidx_v, iidx_v, ub_v, ib_v, sem_u, sem_i, sem_w):
    wid = lax.axis_index("s") * NC + lax.axis_index("c")
    base = wid * BW
    sl = pl.ds(base, BW)
    pltpu.sync_copy(uid_hbm.at[sl], uidx_v)
    pltpu.sync_copy(iid_hbm.at[sl], iidx_v)
    cp_u = pltpu.async_copy(ubT_hbm.at[0].at[uidx_v], ub_v, sem_u)
    cp_i = pltpu.async_copy(ibT_hbm.at[0].at[iidx_v], ib_v, sem_i)
    cp_u.wait()
    cp_i.wait()
    cp0 = pltpu.async_copy(ub_v, ub_out.at[sl], sem_w)
    cp1 = pltpu.async_copy(ib_v, ib_out.at[sl], sem_w)
    cp0.wait()
    cp1.wait()


@jax.jit
def _sc_bias_gather(uid, iid, ubT, ibT):
    return pl.kernel(
        _sc_bias_body,
        out_type=(
            jax.ShapeDtypeStruct((BATCH,), jnp.float32),
            jax.ShapeDtypeStruct((BATCH,), jnp.float32),
        ),
        mesh=plsc.VectorSubcoreMesh(**_MESH),
        scratch_types=[
            pltpu.VMEM((BW,), jnp.int32),
            pltpu.VMEM((BW,), jnp.int32),
            pltpu.VMEM((BW,), jnp.float32),
            pltpu.VMEM((BW,), jnp.float32),
            pltpu.SemaphoreType.DMA,
            pltpu.SemaphoreType.DMA,
            pltpu.SemaphoreType.DMA,
        ],
        compiler_params=pltpu.CompilerParams(use_tc_tiling_on_sc=False),
        name="recsys_sc_bias",
    )(uid, iid, ubT, ibT)


def _sc_emb_body(uid_hbm, iid_hbm, uemb_hbm, iemb_hbm, eu_out, ev_out,
                 uidx_v, iidx_v, eu_v, ev_v, sem_eu, sem_ev, sem_w):
    wid = lax.axis_index("s") * NC + lax.axis_index("c")
    base = wid * BW
    pltpu.sync_copy(uid_hbm.at[pl.ds(base, BW)], uidx_v)
    pltpu.sync_copy(iid_hbm.at[pl.ds(base, BW)], iidx_v)

    def chunk(c, _):
        off = c * CH

        def fetch(g, _):
            uvec = uidx_v[pl.ds(off + g * 16, 16)]
            ivec = iidx_v[pl.ds(off + g * 16, 16)]
            for j in range(16):
                k = g * 16 + j
                pltpu.async_copy(uemb_hbm.at[pl.ds(uvec[j], 1)],
                                 eu_v.at[pl.ds(k, 1)], sem_eu)
                pltpu.async_copy(iemb_hbm.at[pl.ds(ivec[j], 1)],
                                 ev_v.at[pl.ds(k, 1)], sem_ev)
            return ()

        lax.fori_loop(0, CH // 16, fetch, ())

        def drain(k, _):
            pltpu.make_async_copy(uemb_hbm.at[pl.ds(0, 1)],
                                  eu_v.at[pl.ds(0, 1)], sem_eu).wait()
            pltpu.make_async_copy(iemb_hbm.at[pl.ds(0, 1)],
                                  ev_v.at[pl.ds(0, 1)], sem_ev).wait()
            return ()

        lax.fori_loop(0, CH, drain, (), unroll=8)

        row0 = base + off
        cp0 = pltpu.async_copy(eu_v, eu_out.at[pl.ds(row0, CH)], sem_w)
        cp1 = pltpu.async_copy(ev_v, ev_out.at[pl.ds(row0, CH)], sem_w)
        cp0.wait()
        cp1.wait()
        return ()

    lax.fori_loop(0, NCH, chunk, ())


@jax.jit
def _sc_emb_gather(uid, iid, user_emb, item_emb):
    return pl.kernel(
        _sc_emb_body,
        out_type=(
            jax.ShapeDtypeStruct((BATCH, EMB), jnp.float32),
            jax.ShapeDtypeStruct((BATCH, EMB), jnp.float32),
        ),
        mesh=plsc.VectorSubcoreMesh(**_MESH),
        scratch_types=[
            pltpu.VMEM((BW,), jnp.int32),
            pltpu.VMEM((BW,), jnp.int32),
            pltpu.VMEM((CH, EMB), jnp.float32),
            pltpu.VMEM((CH, EMB), jnp.float32),
            pltpu.SemaphoreType.DMA,
            pltpu.SemaphoreType.DMA,
            pltpu.SemaphoreType.DMA,
        ],
        compiler_params=pltpu.CompilerParams(needs_layout_passes=False),
        name="recsys_sc_emb",
    )(uid, iid, user_emb, item_emb)


def _tc_dense_body(eu_ref, ev_ref, uw_ref, ub_ref, iw_ref, ib_ref,
                   ubias_ref, ibias_ref, out_ref):
    f32 = jnp.float32
    uw = uw_ref[...]
    iw = iw_ref[...]
    ub = ub_ref[...]
    ib = ib_ref[...]
    eu = eu_ref[...]
    ev = ev_ref[...]
    u1 = jnp.dot(eu, uw, preferred_element_type=f32) + ub
    u2 = jnp.dot(u1, uw, preferred_element_type=f32) + ub
    v1 = jnp.dot(ev, iw, preferred_element_type=f32) + ib
    v2 = jnp.dot(v1, iw, preferred_element_type=f32) + ib
    s = jnp.sum(u2 * v2)
    x = s + ubias_ref[...] + ibias_ref[...]
    out_ref[...] = jax.nn.sigmoid(x)


@jax.jit
def _tc_dense(eu, ev, user_W, user_b, item_W, item_b, ubias, ibias):
    vmem = functools.partial(pl.BlockSpec, memory_space=pltpu.VMEM)
    return pl.pallas_call(
        _tc_dense_body,
        out_shape=jax.ShapeDtypeStruct((128, 128), jnp.float32),
        in_specs=[vmem()] * 8,
        out_specs=vmem(),
        name="recsys_tc_dense",
    )(eu, ev, user_W, user_b, item_W, item_b,
      ubias.reshape(128, 128), ibias.reshape(128, 128))


def kernel(inputs, user_emb, user_W, user_b, user_bias_tab, item_emb,
           item_W, item_b, item_bias_tab):
    uid = inputs[:, 0]
    iid = inputs[:, 1]
    ub, ib = _sc_bias_gather(uid, iid, user_bias_tab.T, item_bias_tab.T)
    eu, ev = _sc_emb_gather(uid, iid, user_emb, item_emb)
    out = _tc_dense(eu, ev, user_W, user_b, item_W, item_b, ub, ib)
    return out.reshape(BATCH, 1)

# --- scband reference (transcript-rebuilt; emitter-appended) ---
"""Pipeline reference for scband-recommender-net-62122406969720 (READ-ONLY COPY).

The authoritative reference and input builder live on the scoring server;
editing this copy changes nothing except your own understanding.
"""

import jax, jax.numpy as jnp
import numpy as np

NUM_USERS = 1000000
NUM_ITEMS = 1000000
EMB = 32
DENSE_UNITS = 32
BATCH = 16384


def setup_inputs(seed: int = 0) -> dict:
    key = jax.random.key(seed)
    ks = jax.random.split(key, 10)
    inputs = jax.random.randint(ks[0], (BATCH, 2), 0, min(NUM_USERS, NUM_ITEMS), dtype=jnp.int64 if jax.config.jax_enable_x64 else jnp.int32)
    inputs = inputs.astype(jnp.int32)
    # he_normal-ish init for embeddings, glorot-ish for dense
    user_emb = jax.random.normal(ks[1], (NUM_USERS, EMB), dtype=jnp.float32) * jnp.sqrt(2.0 / EMB)
    item_emb = jax.random.normal(ks[2], (NUM_ITEMS, EMB), dtype=jnp.float32) * jnp.sqrt(2.0 / EMB)
    user_bias_tab = jax.random.normal(ks[3], (NUM_USERS, 1), dtype=jnp.float32) * 0.01
    item_bias_tab = jax.random.normal(ks[4], (NUM_ITEMS, 1), dtype=jnp.float32) * 0.01
    user_W = jax.random.normal(ks[5], (EMB, DENSE_UNITS), dtype=jnp.float32) * jnp.sqrt(2.0 / EMB)
    user_b = jnp.zeros((DENSE_UNITS,), dtype=jnp.float32)
    item_W = jax.random.normal(ks[6], (EMB, DENSE_UNITS), dtype=jnp.float32) * jnp.sqrt(2.0 / EMB)
    item_b = jnp.zeros((DENSE_UNITS,), dtype=jnp.float32)
    return {
        "inputs": inputs,
        "user_emb": user_emb,
        "user_W": user_W,
        "user_b": user_b,
        "user_bias_tab": user_bias_tab,
        "item_emb": item_emb,
        "item_W": item_W,
        "item_b": item_b,
        "item_bias_tab": item_bias_tab,
    }


def reference(inputs, user_emb, user_W, user_b, user_bias_tab, item_emb, item_W, item_b, item_bias_tab):
    uid = inputs[:, 0]
    iid = inputs[:, 1]
    # user tower: embedding lookup + same dense layer applied twice (as in original code)
    user_vector = jnp.take(user_emb, uid, axis=0)
    user_vector = user_vector @ user_W + user_b
    user_vector = user_vector @ user_W + user_b
    user_bias = jnp.take(user_bias_tab, uid, axis=0)
    # item tower: embedding lookup + same dense layer applied twice
    item_vector = jnp.take(item_emb, iid, axis=0)
    item_vector = item_vector @ item_W + item_b
    item_vector = item_vector @ item_W + item_b
    item_bias = jnp.take(item_bias_tab, iid, axis=0)
    # tf.tensordot(u, v, 2) contracts both axes -> scalar (faithful to original)
    dot_user_item = jnp.tensordot(user_vector, item_vector, axes=2)
    x = dot_user_item + user_bias + item_bias
    return jax.nn.sigmoid(x)

if __name__ == "__main__":
    import jax
    _d = setup_inputs()
    print(jax.jit(kernel)(*tuple(_d.values())))

</pallas_src>

<mosaic_0001>
#map = affine_map<(d0, d1) -> (0)>
#map1 = affine_map<(d0, d1) -> (0, 0)>
module attributes {stable_mosaic.version = 14 : i64} {
  func.func @recsys_sc_bias(%arg0: i32, %arg1: i32, %arg2: memref<16384xi32, #tpu.memory_space<hbm>>, %arg3: memref<16384xi32, #tpu.memory_space<hbm>>, %arg4: memref<1x1000000xf32, #tpu.memory_space<hbm>>, %arg5: memref<1x1000000xf32, #tpu.memory_space<hbm>>, %arg6: memref<16384xf32, #tpu.memory_space<hbm>>, %arg7: memref<16384xf32, #tpu.memory_space<hbm>>, %arg8: memref<512xi32, #tpu.memory_space<vmem>>, %arg9: memref<512xi32, #tpu.memory_space<vmem>>, %arg10: memref<512xf32, #tpu.memory_space<vmem>>, %arg11: memref<512xf32, #tpu.memory_space<vmem>>, %arg12: memref<!tpu.dma_semaphore, #tpu.memory_space<semaphore_mem>>, %arg13: memref<!tpu.dma_semaphore, #tpu.memory_space<semaphore_mem>>, %arg14: memref<!tpu.dma_semaphore, #tpu.memory_space<semaphore_mem>>) attributes {dimension_semantics = [#tpu.dimension_semantics<core_parallel>, #tpu.dimension_semantics<subcore_parallel>], iteration_bounds = array<i64: 2, 16>, scalar_prefetch = 0 : i64, scratch_operands = 7 : i64, tpu.core_type = #tpu.core_type<sc_vector_subcore>, window_params = [{transform_indices = #map}, {transform_indices = #map}, {transform_indices = #map1}, {transform_indices = #map1}, {transform_indices = #map}, {transform_indices = #map}]} {
    %mul3A = arith.constant 2 : i32
    %mul3A_0 = arith.muli %arg1, %mul3A : i32
    %add3A = arith.addi %mul3A_0, %arg0 : i32
    %mul3A_1 = arith.constant 512 : i32
    %mul3A_2 = arith.muli %add3A, %mul3A_1 : i32
    "tpu.region"() ({
      %run_scoped3A = tpu.sem_alloc : memref<!tpu.dma_semaphore, #tpu.memory_space<semaphore_mem>>
      %dma_start3A_33 = tpu.memref_slice %arg2[%mul3A_2] : memref<16384xi32, #tpu.memory_space<hbm>> -> memref<512xi32, #tpu.memory_space<hbm>>
      %dma_start3A_34 = tpu.memref_slice %arg2[%mul3A_2] : memref<16384xi32, #tpu.memory_space<hbm>> -> memref<512xi32, #tpu.memory_space<hbm>>
      tpu.enqueue_dma source(%dma_start3A_34 : memref<512xi32, #tpu.memory_space<hbm>>) target(%arg8 : memref<512xi32, #tpu.memory_space<vmem>>) target_semaphore(%run_scoped3A : memref<!tpu.dma_semaphore, #tpu.memory_space<semaphore_mem>>)
      %dma_wait3A_35 = tpu.memref_slice %arg2[%mul3A_2] : memref<16384xi32, #tpu.memory_space<hbm>> -> memref<512xi32, #tpu.memory_space<hbm>>
      %dma_wait3A_36 = tpu.memref_slice %arg2[%mul3A_2] : memref<16384xi32, #tpu.memory_space<hbm>> -> memref<512xi32, #tpu.memory_space<hbm>>
      tpu.wait_dma2 semaphore(%run_scoped3A : memref<!tpu.dma_semaphore, #tpu.memory_space<semaphore_mem>>) src(%dma_wait3A_36 : memref<512xi32, #tpu.memory_space<hbm>>) dst(%arg8 : memref<512xi32, #tpu.memory_space<vmem>>)
      tpu.yield
    }) : () -> ()
    "tpu.region"() ({
      %run_scoped3A = tpu.sem_alloc : memref<!tpu.dma_semaphore, #tpu.memory_space<semaphore_mem>>
      %dma_start3A_33 = tpu.memref_slice %arg3[%mul3A_2] : memref<16384xi32, #tpu.memory_space<hbm>> -> memref<512xi32, #tpu.memory_space<hbm>>
      %dma_start3A_34 = tpu.memref_slice %arg3[%mul3A_2] : memref<16384xi32, #tpu.memory_space<hbm>> -> memref<512xi32, #tpu.memory_space<hbm>>
      tpu.enqueue_dma source(%dma_start3A_34 : memref<512xi32, #tpu.memory_space<hbm>>) target(%arg9 : memref<512xi32, #tpu.memory_space<vmem>>) target_semaphore(%run_scoped3A : memref<!tpu.dma_semaphore, #tpu.memory_space<semaphore_mem>>)
      %dma_wait3A_35 = tpu.memref_slice %arg3[%mul3A_2] : memref<16384xi32, #tpu.memory_space<hbm>> -> memref<512xi32, #tpu.memory_space<hbm>>
      %dma_wait3A_36 = tpu.memref_slice %arg3[%mul3A_2] : memref<16384xi32, #tpu.memory_space<hbm>> -> memref<512xi32, #tpu.memory_space<hbm>>
      tpu.wait_dma2 semaphore(%run_scoped3A : memref<!tpu.dma_semaphore, #tpu.memory_space<semaphore_mem>>) src(%dma_wait3A_36 : memref<512xi32, #tpu.memory_space<hbm>>) dst(%arg9 : memref<512xi32, #tpu.memory_space<vmem>>)
      tpu.yield
    }) : () -> ()
    %dma_start3A = arith.constant 0 : i32
    %dma_start3A_3 = arith.constant 0 : i32
    %dma_start3A_4 = tpu.memref_slice %arg4[%dma_start3A, %dma_start3A_3] : memref<1x1000000xf32, #tpu.memory_space<hbm>> -> memref<1x1000000xf32, #tpu.memory_space<hbm>>
    %dma_start3A_5 = tpu.memref_squeeze %dma_start3A_4 : memref<1x1000000xf32, #tpu.memory_space<hbm>> -> memref<1000000xf32, #tpu.memory_space<hbm>>
    %dma_start3A_6 = arith.constant 0 : i32
    %dma_start3A_7 = tpu.memref_slice %dma_start3A_5[%dma_start3A_6] : memref<1000000xf32, #tpu.memory_space<hbm>> -> memref<1000000xf32, #tpu.memory_space<hbm>>
    tpu.enqueue_indirect_dma source(%dma_start3A_7 : memref<1000000xf32, #tpu.memory_space<hbm>>) target(%arg10 : memref<512xf32, #tpu.memory_space<vmem>>) offsets(%arg8 : memref<512xi32, #tpu.memory_space<vmem>>) semaphore(%arg12 : memref<!tpu.dma_semaphore, #tpu.memory_space<semaphore_mem>>)
    %dma_start3A_8 = arith.constant 0 : i32
    %dma_start3A_9 = arith.constant 0 : i32
    %dma_start3A_10 = tpu.memref_slice %arg5[%dma_start3A_8, %dma_start3A_9] : memref<1x1000000xf32, #tpu.memory_space<hbm>> -> memref<1x1000000xf32, #tpu.memory_space<hbm>>
    %dma_start3A_11 = tpu.memref_squeeze %dma_start3A_10 : memref<1x1000000xf32, #tpu.memory_space<hbm>> -> memref<1000000xf32, #tpu.memory_space<hbm>>
    %dma_start3A_12 = arith.constant 0 : i32
    %dma_start3A_13 = tpu.memref_slice %dma_start3A_11[%dma_start3A_12] : memref<1000000xf32, #tpu.memory_space<hbm>> -> memref<1000000xf32, #tpu.memory_space<hbm>>
    tpu.enqueue_indirect_dma source(%dma_start3A_13 : memref<1000000xf32, #tpu.memory_space<hbm>>) target(%arg11 : memref<512xf32, #tpu.memory_space<vmem>>) offsets(%arg9 : memref<512xi32, #tpu.memory_space<vmem>>) semaphore(%arg13 : memref<!tpu.dma_semaphore, #tpu.memory_space<semaphore_mem>>)
    %dma_wait3A = arith.constant 0 : i32
    %dma_wait3A_14 = arith.constant 0 : i32
    %dma_wait3A_15 = tpu.memref_slice %arg4[%dma_wait3A, %dma_wait3A_14] : memref<1x1000000xf32, #tpu.memory_space<hbm>> -> memref<1x1000000xf32, #tpu.memory_space<hbm>>
    %dma_wait3A_16 = tpu.memref_squeeze %dma_wait3A_15 : memref<1x1000000xf32, #tpu.memory_space<hbm>> -> memref<1000000xf32, #tpu.memory_space<hbm>>
    %dma_wait3A_17 = arith.constant 0 : i32
    %dma_wait3A_18 = tpu.memref_slice %dma_wait3A_16[%dma_wait3A_17] : memref<1000000xf32, #tpu.memory_space<hbm>> -> memref<1000000xf32, #tpu.memory_space<hbm>>
    tpu.wait_indirect_dma semaphore(%arg12 : memref<!tpu.dma_semaphore, #tpu.memory_space<semaphore_mem>>) src(%dma_wait3A_18 : memref<1000000xf32, #tpu.memory_space<hbm>>) dst(%arg10 : memref<512xf32, #tpu.memory_space<vmem>>)
    %dma_wait3A_19 = arith.constant 0 : i32
    %dma_wait3A_20 = arith.constant 0 : i32
    %dma_wait3A_21 = tpu.memref_slice %arg5[%dma_wait3A_19, %dma_wait3A_20] : memref<1x1000000xf32, #tpu.memory_space<hbm>> -> memref<1x1000000xf32, #tpu.memory_space<hbm>>
    %dma_wait3A_22 = tpu.memref_squeeze %dma_wait3A_21 : memref<1x1000000xf32, #tpu.memory_space<hbm>> -> memref<1000000xf32, #tpu.memory_space<hbm>>
    %dma_wait3A_23 = arith.constant 0 : i32
    %dma_wait3A_24 = tpu.memref_slice %dma_wait3A_22[%dma_wait3A_23] : memref<1000000xf32, #tpu.memory_space<hbm>> -> memref<1000000xf32, #tpu.memory_space<hbm>>
    tpu.wait_indirect_dma semaphore(%arg13 : memref<!tpu.dma_semaphore, #tpu.memory_space<semaphore_mem>>) src(%dma_wait3A_24 : memref<1000000xf32, #tpu.memory_space<hbm>>) dst(%arg11 : memref<512xf32, #tpu.memory_space<vmem>>)
    %dma_start3A_25 = tpu.memref_slice %arg6[%mul3A_2] : memref<16384xf32, #tpu.memory_space<hbm>> -> memref<512xf32, #tpu.memory_space<hbm>>
    %dma_start3A_26 = tpu.memref_slice %arg6[%mul3A_2] : memref<16384xf32, #tpu.memory_space<hbm>> -> memref<512xf32, #tpu.memory_space<hbm>>
    tpu.enqueue_dma source(%arg10 : memref<512xf32, #tpu.memory_space<vmem>>) target(%dma_start3A_26 : memref<512xf32, #tpu.memory_space<hbm>>) target_semaphore(%arg14 : memref<!tpu.dma_semaphore, #tpu.memory_space<semaphore_mem>>)
    %dma_start3A_27 = tpu.memref_slice %arg7[%mul3A_2] : memref<16384xf32, #tpu.memory_space<hbm>> -> memref<512xf32, #tpu.memory_space<hbm>>
    %dma_start3A_28 = tpu.memref_slice %arg7[%mul3A_2] : memref<16384xf32, #tpu.memory_space<hbm>> -> memref<512xf32, #tpu.memory_space<hbm>>
    tpu.enqueue_dma source(%arg11 : memref<512xf32, #tpu.memory_space<vmem>>) target(%dma_start3A_28 : memref<512xf32, #tpu.memory_space<hbm>>) target_semaphore(%arg14 : memref<!tpu.dma_semaphore, #tpu.memory_space<semaphore_mem>>)
    %dma_wait3A_29 = tpu.memref_slice %arg6[%mul3A_2] : memref<16384xf32, #tpu.memory_space<hbm>> -> memref<512xf32, #tpu.memory_space<hbm>>
    %dma_wait3A_30 = tpu.memref_slice %arg6[%mul3A_2] : memref<16384xf32, #tpu.memory_space<hbm>> -> memref<512xf32, #tpu.memory_space<hbm>>
    tpu.wait_dma2 semaphore(%arg14 : memref<!tpu.dma_semaphore, #tpu.memory_space<semaphore_mem>>) src(%arg10 : memref<512xf32, #tpu.memory_space<vmem>>) dst(%dma_wait3A_30 : memref<512xf32, #tpu.memory_space<hbm>>)
    %dma_wait3A_31 = tpu.memref_slice %arg7[%mul3A_2] : memref<16384xf32, #tpu.memory_space<hbm>> -> memref<512xf32, #tpu.memory_space<hbm>>
    %dma_wait3A_32 = tpu.memref_slice %arg7[%mul3A_2] : memref<16384xf32, #tpu.memory_space<hbm>> -> memref<512xf32, #tpu.memory_space<hbm>>
    tpu.wait_dma2 semaphore(%arg14 : memref<!tpu.dma_semaphore, #tpu.memory_space<semaphore_mem>>) src(%arg11 : memref<512xf32, #tpu.memory_space<vmem>>) dst(%dma_wait3A_32 : memref<512xf32, #tpu.memory_space<hbm>>)
    return
  }
}

</mosaic_0001>

<sc_bundles>
// kernel: recsys_sc_bias.3.cloned.1.call-start
scs
__scs_entry_jumppad:
0x0: {  	(pc) =	sbr.rel $0x88, $3  }
0x1: {  	(tag) =	ssettag $0x0;
	lr =	simm.s32 $0x1  }
0x2: {  	[smem:$0x3F9D] =	sst lr;
	_ =	strace $0xD0000000  }
0x3: {  	_ = 	snop  }
0x4: {  	_ = 	snop  }
0x5: {  	_ = 	snop  }
0x6: {  	_ = 	snop  }
0x7: {  	_ = 	snop  }
__scs_overlays_trampoline_lowered:
0x8: {  	[smem:$0x3FAC] =	sst s0  }
0x9: {  	[smem:$0x3FAD] =	sst s1  }
0xa: {  	[smem:$0x3FAE] =	sst s2  }
0xb: {  	[smem:$0x3FAF] =	sst s3  }
0xc: {  	[smem:$0x3FB0] =	sst s4  }
0xd: {  	[smem:$0x3FB1] =	sst s5  }
0xe: {  	[smem:$0x3FB2] =	sst s6  }
0xf: {  	[smem:$0x3FB3] =	sst s7  }
0x10: {  	[smem:$0x3FB4] =	sst s8  }
0x11: {  	[smem:$0x3FB5] =	sst s9;
	s0 =	simm.s32 @!p0 $0x0  }
0x12: {  	s1 =	sld [smem:$0x3F9B];
	s0 =	simm.s32 @p0 $0x1  }
0x13: {  	[smem:$0x3FB6] =	sst s0;
	s0 =	simm.s32 @!p1 $0x0  }
0x14: {  	s2 =	sld [smem:$0x3F9A];
	s0 =	simm.s32 @p1 $0x1  }
0x15: {  	[smem:$0x3FB7] =	sst s0;
	s0 =	simm.s32 @!p2 $0x0  }
0x16: {  	s3 =	sld [smem:$0x3FDB];
	s0 =	simm.s32 @p2 $0x1  }
0x17: {  	s4 =	simm.s32 $0x1BF5;
	[smem:$0x3FB9] =	sst s0  }
0x18: {  	s0 =	sld [smem:$0x3F9C];
	_ =	swait.ge [sflag:s4], $0x0  }
0x19: {  	s7 =	sld [smem:$0x3F9D]  }
0x1a: {  	s8 =	sadd.s32 $0xFFFFE003, lr  }
0x1b: {  	s9 =	sadd.s32 $0xFFFFFEF7, lr;
	s5 =	simm.s32 $0xFFFFFFFF;
	p2 =	slt.u32 s8, $0xFFFFF086  }
0x1c: {  	p1 =	slt.u32 s9, $0xF7A;
	s5 =	simm.s32 @!p2 $0x0  }
0x1d: {  	s5 =	simm.s32 @p1 $0x1;
	p0 =	seq.s32 s7, s2  }
0x1e: {  	s7 =	smul.u32 @!p0 $0xF7A, s2;
	p2 =	seq.s32 @!p0 s5, $0x0  }
0x1f: {  	s9 =	smul.u32 $0xF7A, s1;
	s8 =	simm.s32 @!p0 $0x1BF5;
	p2 =	por !p2, p0  }
0x20: {  	[sflag:s8] =	ssyncset.s32 @!p0 $0xFFFFF086;
	s6 =	sadd.s32 @!p0 s3, s7;
	s7 =	simm.s32 @!p0 $0x108  }
0x21: {  	s3 =	sadd.s32 s3, s9;
	s6 =	sadd.s32 @!p0 $0x88, s6;
	s7 =	simm.s32 @p2 $0x1082  }
0x22: {  	[simem:s7], [sflag:s8] =	dma.local @!p0 [hbm:s6], $0xF7A  }
0x23: {  	s9 =	sor.u32 $0xD0000000, s2;
	s6 =	simm.s32 $0x108;
	_ =	swait.ge @!p0 [sflag:s8], $0x0  }
0x24: {  	s3 =	sadd.s32 $0x88, s3;
	s6 =	simm.s32 @!p1 $0x1082;
	[sflag:s4] =	ssyncset.s32 $0xFFFFF086  }
0x25: {  	[simem:s6], [sflag:s4] =	dma.local [hbm:s3], $0xF7A  }
0x26: {  	[smem:$0x3F9D] =	sst s1;
	(tag) =	ssettag s2;
	_ =	strace s9  }
0x27: {  	s1 =	sld [smem:$0x3FAD]  }
0x28: {  	s2 =	sld [smem:$0x3FAE]  }
0x29: {  	s4 =	sld [smem:$0x3FB0]  }
0x2a: {  	p0 =	seq.s32 s5, $0x0;
	s5 =	sld [smem:$0x3FB1]  }
0x2b: {  	s6 =	sld [smem:$0x3FB2]  }
0x2c: {  	s7 =	sld [smem:$0x3FB3]  }
0x2d: {  	s3 =	simm.s32 $0x108;
	s8 =	sld [smem:$0x3FB4]  }
0x2e: {  	s3 =	simm.s32 @!p0 $0x1082;
	s9 =	sld [smem:$0x3FB5]  }
0x2f: {  	lr =	sadd.s32 s0, s3;
	s0 =	sld [smem:$0x3FAC]  }
0x30: {  	s3 =	sld [smem:$0x3FAF]  }
0x31: {  	[smem:$0x3FB8] =	sst s10  }
0x32: {  	s10 =	sld [smem:$0x3FB6];
	_ =	sdelay $0x3  }
0x33: {  	p0 =	seq.s32 s10, $0x1;
	s10 =	sld [smem:$0x3FB8];
	_ =	sdelay $0x3  }
0x34: {  	[smem:$0x3FB8] =	sst s10  }
0x35: {  	s10 =	sld [smem:$0x3FB7];
	_ =	sdelay $0x3  }
0x36: {  	p1 =	seq.s32 s10, $0x1;
	s10 =	sld [smem:$0x3FB8];
	_ =	sdelay $0x3  }
0x37: {  	[smem:$0x3FB8] =	sst s10  }
0x38: {  	s10 =	sld [smem:$0x3FB9]  }
0x39: {  	_ = 	snop;
	(pc) =	sbr.ind lr, $3  }
0x3a: {  	_ = 	snop  }
0x3b: {  	_ = 	snop  }
0x3c: {  	p2 =	seq.s32 s10, $0x1;
	s10 =	sld [smem:$0x3FB8]  }
0x3d: {  	_ =	shalt  }
0x3e: {  	_ =	shalt  }
0x3f: {  	_ =	shalt  }
0x40: {  	_ =	shalt  }
0x41: {  	_ =	shalt  }
0x42: {  	_ =	shalt  }
0x43: {  	_ =	shalt  }
0x44: {  	_ =	shalt  }
0x45: {  	_ =	shalt  }
0x46: {  	_ =	shalt  }
0x47: {  	_ =	shalt  }
0x48: {  	_ =	shalt  }
0x49: {  	_ =	shalt  }
0x4a: {  	_ =	shalt  }
0x4b: {  	_ =	shalt  }
0x4c: {  	_ =	shalt  }
0x4d: {  	_ =	shalt  }
0x4e: {  	_ =	shalt  }
0x4f: {  	_ =	shalt  }
0x50: {  	_ =	shalt  }
0x51: {  	_ =	shalt  }
0x52: {  	_ =	shalt  }
0x53: {  	_ =	shalt  }
0x54: {  	_ =	shalt  }
0x55: {  	_ =	shalt  }
0x56: {  	_ =	shalt  }
0x57: {  	_ =	shalt  }
0x58: {  	_ =	shalt  }
0x59: {  	_ =	shalt  }
0x5a: {  	_ =	shalt  }
0x5b: {  	_ =	shalt  }
0x5c: {  	_ =	shalt  }
0x5d: {  	_ =	shalt  }
0x5e: {  	_ =	shalt  }
0x5f: {  	_ =	shalt  }
0x60: {  	_ =	shalt  }
0x61: {  	_ =	shalt  }
0x62: {  	_ =	shalt  }
0x63: {  	_ =	shalt  }
0x64: {  	_ =	shalt  }
0x65: {  	_ =	shalt  }
0x66: {  	_ =	shalt  }
0x67: {  	_ =	shalt  }
0x68: {  	_ =	shalt  }
0x69: {  	_ =	shalt  }
0x6a: {  	_ =	shalt  }
0x6b: {  	_ =	shalt  }
0x6c: {  	_ =	shalt  }
0x6d: {  	_ =	shalt  }
0x6e: {  	_ =	shalt  }
0x6f: {  	_ =	shalt  }
0x70: {  	_ =	shalt  }
0x71: {  	_ =	shalt  }
0x72: {  	_ =	shalt  }
0x73: {  	_ =	shalt  }
0x74: {  	_ =	shalt  }
0x75: {  	_ =	shalt  }
0x76: {  	_ =	shalt  }
0x77: {  	_ =	shalt  }
0x78: {  	_ =	shalt  }
0x79: {  	_ =	shalt  }
0x7a: {  	_ =	shalt  }
0x7b: {  	_ =	shalt  }
0x7c: {  	_ =	shalt  }
0x7d: {  	_ =	shalt  }
0x7e: {  	_ =	shalt  }
0x7f: {  	_ =	shalt  }
0x80: {  	_ =	shalt  }
0x81: {  	_ =	shalt  }
0x82: {  	_ =	shalt  }
0x83: {  	_ =	shalt  }
0x84: {  	_ =	shalt  }
0x85: {  	_ =	shalt  }
0x86: {  	_ =	shalt  }
0x87: {  	_ =	shalt  }
.Lfunc_end0:
.L_simem_size_0:
called_computation_lowered:
.L_overlay_start_0:
0x88: {  	s2 =	sld [smem:$0x3FD9]  }
0x89: {  	s3 =	sld [smem:$0x3FFE];
	_ =	sdelay $0x1  }
0x8a: {  	s1 =	srdreg.scid  }
0x8b: {  	s0 =	sand.u32 $0x1, s1  }
0x8c: {  	s14 =	sshll.u32 s0, $0xA;
	s2 =	sadd.s32 s3, s2  }
0x8d: {  	s2 =	sadd.s32 s2, s14  }
0x8e: {  	[smem:$0x3FC4] =	sst s2  }
0x8f: {  	_ = 	snop  }
0x90: {  	s2 =	sld [smem:$0x3FD0];
	_ =	sdelay $0x1  }
0x91: {  	s15 =	sld [smem:$0x3FC9]  }
0x92: {  	s5 =	simm.s32 $0xA;
	s6 =	simm.s32 $0x10;
	s4 =	sld [smem:$0x3FC8]  }
0x93: {  	[smem:s6], [sflag:s5] =	dma.local [hbm:s2], $0x1  }
0x94: {  	_ =	swait.eq [sflag:s5], $0x1  }
0x95: {  	[sflag:s5] =	ssyncset.done $0x0  }
0x96: {  	s16 =	sld [smem:$0x10];
	[sflag:s5] =	ssyncadd.s32 $0xFFFFFFFF  }
0x97: {  	s17 =	sld [smem:$0x11];
	(tm) =	ssettm $0x1  }
0x98: {  	s18 =	sld [smem:$0x3FFB];
	_ =	sdelay $0x3  }
0x99: {  	_ =	strace s18  }
0x9a: {  	s6 =	sld [smem:$0x3FFC];
	_ =	sdelay $0x3  }
0x9b: {  	_ =	strace s6  }
0x9c: {  	s6 =	sld [smem:$0x3FFD];
	_ =	sdelay $0x3  }
0x9d: {  	_ =	strace s6  }
0x9e: {  	_ =	strace $0x8FFFFFFF  }
0x9f: {  	s19 =	sld [smem:$0x3FDB];
	_ =	sdelay $0x1  }
0xa0: {  	s7 =	simm.s32 $_scs_section_size  }
0xa1: {  	s8 =	simm.s32 $_size__tile_overlayer_lowered;
	s9 =	simm.s32 $_tile_overlayer_lowered  }
0xa2: {  	s22 =	simm.s32 $0x1BFF;
	s21 =	sshll.u32 s9, $0x1;
	s6 =	sadd.s32 s7, s19  }
0xa3: {  	s10 =	simm.s32 $0x0;
	s20 =	sshll.u32 s8, $0x1;
	s8 =	sadd.s32 s21, s6  }
0xa4: {  	[timem:s10], [sflag:s22] =	dma.local [hbm:s8], s20  }
0xa5: {  	_ =	swait.ge [sflag:s22], s20  }
0xa6: {  	s7 =	ssub.s32 $0x0, s20;
	[sflag:s22] =	ssyncset.done $0x0  }
0xa7: {  	[sflag:s22] =	ssyncadd.s32 s7;
	_ =	sdelay $0x1  }
0xa8: {  	s23 =	simm.s32 $0x1B8B  }
0xa9: {  	_ =	swait.ge [sflag:s23], $0x1  }
0xaa: {  	[sflag:s23] =	ssyncset.done $0x0  }
0xab: {  	s25 =	simm.s32 $0x1B8E;
	s24 =	sld [smem:$0x3FFE];
	[sflag:s23] =	ssyncadd.s32 $0xFFFFFFFF  }
0xac: {  	s26 =	simm.s32 $execute0_lowered;
	[smem:$0x3FD2] =	sst s25  }
0xad: {  	s8 =	sshll.u32 s26, $0x1;
	_ =	strace $0x80000046;
	[dreg:$0x1] =	wrdreg $0xFFFFFFFF  }
0xae: {  	s28 =	simm.s32 $_size_execute0_lowered;
	s6 =	sadd.s32 s6, s8;
	[dreg:$0x0] =	wrdreg $0x0  }
0xaf: {  	s8 =	sshll.u32 s28, $0x1;
	[dreg:$0x2] =	wrdreg s6  }
0xb0: {  	[dreg:$0x3] =	wrdreg s8  }
0xb1: {  	[dreg:$0x4] =	wrdreg $0xC0  }
0xb2: {  	_ =	task [dreg:s10], $0x5FFFF  }
0xb3: {  	[dreg:$0x1] =	wrdreg $0xFFFFFFFF  }
0xb4: {  	[dreg:$0x0] =	wrdreg $0x60  }
0xb5: {  	[dreg:$0x2] =	wrdreg s15  }
0xb6: {  	[dreg:$0x3] =	wrdreg s4  }
0xb7: {  	[dreg:$0x4] =	wrdreg s24  }
0xb8: {  	[dreg:$0x5] =	wrdreg s16  }
0xb9: {  	[dreg:$0x6] =	wrdreg s17  }
0xba: {  	[dreg:$0x7] =	wrdreg $0x9  }
0xbb: {  	_ =	task.clear_ibuf [dreg:s10], $0x8FFFF;
	_ =	strace $0x90000046  }
0xbc: {  	s29 =	simm.s32 $0x9;
	_ =	strace $0x80000048  }
0xbd: {  	_ =	swait.ge [sflag:s29], $0x1  }
0xbe: {  	[sflag:s29] =	ssyncadd.s32 $0xFFFFFFFF  }
0xbf: {  	_ =	strace $0x90000048  }
0xc0: {  	_ =	sfence  }
0xc1: {  	s30 =	sld [smem:$0x0];
	_ =	sdelay $0x2  }
0xc2: {  	s31 =	sshll.u32 s1, $0xD;
	s1 =	sshrl.u32 s1, $0x2  }
0xc3: {  	s3 =	sand.u32 $0x4000, s31;
	s1 =	sadd.s32 s1, s30  }
0xc4: {  	s0 =	sor.u32 s3, s0;
	s1 =	sshll.u32 s1, $0x11  }
0xc5: {  	s0 =	sor.u32 s1, s0  }
0xc6: {  	s0 =	sadd.s32 $0x8F2B, s0  }
0xc7: {  	[sflag:s0] =	ssyncadd.remote.s32 $0x1  }
0xc8: {  	_ =	sfence.sel $0xFFFF  }
0xc9: {  	[dreg:$0x0] =	wrdreg $0xFFFFFFFF;
	(pc) =	sbr.abs _section_cstart, $3  }
0xca: {  	[dreg:$0x1] =	wrdreg $0xFFFFFFFF  }
0xcb: {  	_ =	task.clear_ibuf [dreg:s10], $0x2FFFF;
	_ =	strace $0x9FFFFFFF  }
0xcc: {  	(tm) =	ssettm $0x7FFFFFFF  }
0xcd: {  	_ =	shalt  }
tec
execute0_lowered:
.L_overlay_start_1:
0x0: {  	(tag) =	ssettag $0x1  }
0x1: {  	s4 =	rddreg [dreg:$0x0]  }
0x2: {  	s6 =	rddreg [dreg:$0x1]  }
0x3: {  	s2 =	rddreg [dreg:$0x2]  }
0x4: {  	s13 =	rddreg [dreg:$0x3]  }
0x5: {  	s14 =	rddreg [dreg:$0x4];
	s3 =	srdreg.scid  }
0x6: {  	s0 =	rddreg [dreg:$0x5];
	s1 =	stileid.u32;
	s15 =	sand.u32 $0x1, s3  }
0x7: {  	s3 =	simm.s32 $0x0;
	s5 =	sshll.u32 s1, $0x7;
	s7 =	sshll.u32 s15, $0x6  }
0x8: {  	[smem:$0x7FF] =	sst s3;
	s16 =	sor.u32 s7, s5  }
0x9: {  	_ =	strace $0x80000047;
	s5 =	simm.s32 $0x4;
	s4 =	sadd.s32 s4, s16  }
0xa: {  	[tilespmem:s3], [sflag:$0x4] =	stream.linear.gather [hbm4b:s4+s3], $0x200, $0x38;
	[tilespmem:$0x800] =	vst v63  }
0xb: {  	_ =	swait.ge [sflag:s5], $0x200  }
0xc: {  	[sflag:s5] =	ssyncset.done $0x0  }
0xd: {  	s7 =	simm.s32 $0x200;
	s6 =	sadd.s32 s6, s16;
	[sflag:s5] =	ssyncadd.s32 $0xFFFFFE00  }
0xe: {  	[tilespmem:s7], [sflag:$0x4] =	stream.linear.gather [hbm4b:s6+s3], $0x200, $0x38;
	[tilespmem:$0x800] =	vst v63  }
0xf: {  	_ =	swait.ge [sflag:s5], $0x200  }
0x10: {  	[sflag:s5] =	ssyncset.done $0x0  }
0x11: {  	s8 =	simm.s32 $0x400;
	[sflag:s5] =	ssyncadd.s32 $0xFFFFFE00  }
0x12: {  	[tilespmem:s8], [sflag:$0x1] =	stream.indirect.gather [hbm4b:s2+s7], $0x1, s3, s7, $0xb8;
	[tilespmem:$0x800] =	vst v63  }
0x13: {  	s10 =	simm.s32 $0x600;
	s11 =	simm.s32 $0x1;
	s9 =	sadd.s32 $0x1EA00, s2  }
0x14: {  	[tilespmem:s10], [sflag:$0x2] =	stream.indirect.gather [hbm4b:s9+s7], $0x1, s7, s7, $0xb8;
	[tilespmem:$0x800] =	vst v63  }
0x15: {  	_ =	swait.ge [sflag:s11], $0x200  }
0x16: {  	[sflag:s11] =	ssyncset.done $0x0  }
0x17: {  	s12 =	simm.s32 $0x2;
	s17 =	ssub.s32 $0x2, s15;
	[sflag:s11] =	ssyncadd.s32 $0xFFFFFE00  }
0x18: {  	s31 =	sshrl.u32 s17, $0x1;
	s13 =	sadd.s32 s13, s16;
	_ =	swait.ge [sflag:s12], $0x200  }
0x19: {  	s15 =	sadd.s32 s14, s16;
	s16 =	ssub.s32 s17, s31;
	[sflag:s12] =	ssyncset.done $0x0  }
0x1a: {  	s16 =	smax.u32 s16, $0x1;
	[sflag:s12] =	ssyncadd.s32 $0xFFFFFE00  }
0x1b: {  	[hbm4b:s13+s3] =	stream.linear.scatter [tilespmem:s8], [sflag:$0x3], $0x200, $0x38;
	[tilespmem:$0x800] =	vst v63  }
0x1c: {  	s14 =	simm.s32 $0x3;
	p0 =	sne.s32 s16, $0x1  }
0x1d: {  	[hbm4b:s15+s3] =	stream.linear.scatter [tilespmem:s10], [sflag:$0x3], $0x200, $0x38;
	[tilespmem:$0x800] =	vst v63  }
.Ltmp0:
0x1e: {  	_ =	swait.ge [sflag:s14], $0x200;
	(pc) =	sbr.rel @!p0 .LBB2_2-.Ltmp0, $4  }
0x1f: {  	[sflag:s14] =	ssyncset.done $0x0  }
0x20: {  	[sflag:s14] =	ssyncadd.s32 $0xFFFFFE00  }
0x21: {  	_ =	swait.ge [sflag:s14], $0x200  }
0x22: {  	s16 =	sadd.s32 $0xFFFFFFFF, s16;
	[sflag:s14] =	ssyncset.done $0x0  }
.LBB2_1:
0x23: {  	p0 =	sne.s32 s16, $0x1;
	s16 =	sadd.s32 $0xFFFFFFFF, s16;
	[sflag:s14] =	ssyncadd.s32 $0xFFFFFE00  }
0x24: {  	[tilespmem:s3], [sflag:$0x4] =	stream.linear.gather [hbm4b:s4+s3], $0x200, $0x38;
	[tilespmem:$0x800] =	vst v63  }
0x25: {  	_ =	swait.ge [sflag:s5], $0x200  }
0x26: {  	[sflag:s5] =	ssyncset.done $0x0  }
0x27: {  	[sflag:s5] =	ssyncadd.s32 $0xFFFFFE00  }
0x28: {  	[tilespmem:s7], [sflag:$0x4] =	stream.linear.gather [hbm4b:s6+s3], $0x200, $0x38;
	[tilespmem:$0x800] =	vst v63  }
0x29: {  	_ =	swait.ge [sflag:s5], $0x200  }
0x2a: {  	[sflag:s5] =	ssyncset.done $0x0  }
0x2b: {  	[sflag:s5] =	ssyncadd.s32 $0xFFFFFE00  }
0x2c: {  	[tilespmem:s8], [sflag:$0x1] =	stream.indirect.gather [hbm4b:s2+s7], $0x1, s3, s7, $0xb8;
	[tilespmem:$0x800] =	vst v63  }
0x2d: {  	_ = 	snop  }
0x2e: {  	[tilespmem:s10], [sflag:$0x2] =	stream.indirect.gather [hbm4b:s9+s7], $0x1, s7, s7, $0xb8;
	[tilespmem:$0x800] =	vst v63  }
0x2f: {  	_ =	swait.ge [sflag:s11], $0x200  }
0x30: {  	[sflag:s11] =	ssyncset.done $0x0  }
0x31: {  	[sflag:s11] =	ssyncadd.s32 $0xFFFFFE00  }
0x32: {  	_ =	swait.ge [sflag:s12], $0x200  }
0x33: {  	[sflag:s12] =	ssyncset.done $0x0  }
0x34: {  	[sflag:s12] =	ssyncadd.s32 $0xFFFFFE00  }
0x35: {  	[hbm4b:s13+s3] =	stream.linear.scatter [tilespmem:s8], [sflag:$0x3], $0x200, $0x38;
	[tilespmem:$0x800] =	vst v63  }
0x36: {  	_ = 	snop  }
0x37: {  	[hbm4b:s15+s3] =	stream.linear.scatter [tilespmem:s10], [sflag:$0x3], $0x200, $0x38;
	[tilespmem:$0x800] =	vst v63  }
.Ltmp1:
0x38: {  	_ =	swait.ge [sflag:s14], $0x200;
	(pc) =	sbr.rel @p0 .LBB2_1-.Ltmp1, $4  }
0x39: {  	[sflag:s14] =	ssyncset.done $0x0  }
0x3a: {  	[sflag:s14] =	ssyncadd.s32 $0xFFFFFE00  }
0x3b: {  	_ =	swait.ge [sflag:s14], $0x200  }
0x3c: {  	[sflag:s14] =	ssyncset.done $0x0  }
.LBB2_2:
0x3d: {  	[sflag:s14] =	ssyncadd.s32 $0xFFFFFE00  }
0x3e: {  	_ =	sfence.sel $0x180000  }
0x3f: {  	[bflag:$0x0] =	sbarrier.arrive $0xFFFF  }
0x40: {  	p0 =	sne.s32 s1, $0x0;
	_ =	strace $0x90000047  }
0x41: {  	s0 =	sadd.s32 @!p0 $0x100000, s0;
	[bflag:$0x2] =	sbarrier.arrive $0xFFFF  }
0x42: {  	[sflag:s0] =	ssyncadd.tile.s32 @!p0 $0x1;
	_ =	shalt  }
.Lfunc_end2:
_tile_overlayer_lowered:
.L_overlay_start_2:
0x43: {  	(tag) =	ssettag $0x2  }
0x44: {  	s0 =	rddreg [dreg:$0x0];
	s2 =	stileid.u32  }
0x45: {  	s1 =	rddreg [dreg:$0x1];
	p0 =	sne.s32 s2, $0x0  }
0x46: {  	s3 =	rddreg [dreg:$0x2];
	[bflag:$0x3] =	sbarrier.arrive $0xFFFF;
	s2 =	simm.s32 @!p0 $0x1C04  }
0x47: {  	[timem:s3], [sflag:s2] =	dma.local @!p0 [hbm:s0], s1  }
0x48: {  	s0 =	simm.s32 @!p0 $0x4  }
0x49: {  	_ =	swait.ge @!p0 [sflag:s0], s1  }
0x4a: {  	s1 =	ssub.s32 @!p0 $0x0, s1;
	[sflag:s0] =	ssyncset.done @!p0 $0x0  }
0x4b: {  	[sflag:s0] =	ssyncadd.s32 @!p0 s1  }
0x4c: {  	[bflag:$0x3] =	sbarrier.arrive $0xFFFF  }
0x4d: {  	_ =	shalt  }

</sc_bundles>
